<compile_context>
chip_gen: v7x
topology: tpu7x:2x2x1
jax: 0.10.2.dev20260603
libtpu: 0.0.44.dev20260713+nightly
codegen_flags: <defaults>
</compile_context>

<pallas_src>
import jax
import jax.numpy as jnp
from jax import lax
from jax.experimental import pallas as pl
from jax.experimental.pallas import tpu as pltpu
from jax.experimental.pallas import tpu_sc as plsc

_B = 4096
_N_NUM = 13
_N_CAT = 26
_VOCAB = 100000
_FD = 16
_H1 = 512
_H2 = 256

_NC = 2
_FPC = _N_CAT // _NC


def _gather_body(vt_hbm, idx_hbm, out_hbm, comp_v, idxb_v, res_v, sem, wsem):
    c = lax.axis_index("c")
    s = lax.axis_index("s")
    zero = jnp.zeros((16,), jnp.int32)

    def out_dst(f):
        return out_hbm.at[f, pl.ds(s, 1), :]

    def field_body(fi, carry):
        f = c * _FPC + fi
        cp = pltpu.async_copy(vt_hbm.at[f, pl.ds(s, 1), :], comp_v, sem)
        pltpu.sync_copy(idx_hbm.at[f], idxb_v)

        @pl.when(fi > 0)
        def _():
            pltpu.make_async_copy(res_v, out_dst(f - 1), wsem).wait()

        cp.wait()

        def chunk(t, carry2):
            iv = idxb_v[0, pl.ds(t * 16, 16)]
            res_v[0, pl.ds(t * 16, 16)] = plsc.load_gather(comp_v, [zero, iv])
            return carry2

        lax.fori_loop(0, _B // 16, chunk, 0)
        pltpu.async_copy(res_v, out_dst(f), wsem)
        return carry

    lax.fori_loop(0, _FPC, field_body, 0)
    pltpu.make_async_copy(
        res_v, out_dst((c + 1) * _FPC - 1), wsem).wait()


def _sc_gather(vt, idx3):
    mesh = plsc.VectorSubcoreMesh(core_axis_name="c", subcore_axis_name="s")
    k = pl.kernel(
        _gather_body,
        mesh=mesh,
        out_type=jax.ShapeDtypeStruct((_N_CAT, _FD, _B), jnp.float32),
        scratch_types=[
            pltpu.VMEM((1, _VOCAB), jnp.float32),
            pltpu.VMEM((1, _B), jnp.int32),
            pltpu.VMEM((1, _B), jnp.float32),
            pltpu.SemaphoreType.DMA,
            pltpu.SemaphoreType.DMA,
        ],
        compiler_params=pltpu.CompilerParams(needs_layout_passes=False),
    )
    return k(vt, idx3)


_BB = 512


def _dense_body(vg_ref, xnt_ref, wnum_ref, vnum_ref, w1n_ref, w1c_ref,
                w2_ref, w3_ref, b3_ref, bias_ref, out_ref):
    f32 = jnp.float32
    x3 = vg_ref[...]
    xnt = xnt_ref[...]
    vnum = vnum_ref[...]

    dt0 = (((0,), (0,)), ((), ()))
    sv = lax.dot_general(vnum, xnt, dt0, preferred_element_type=f32)
    sq = lax.dot_general(vnum * vnum, xnt * xnt, dt0,
                         preferred_element_type=f32)
    for f in range(_N_CAT):
        xf = x3[f]
        sv = sv + xf
        sq = sq + xf * xf
    inter = 0.5 * jnp.sum(sv * sv - sq, axis=0, keepdims=True)

    lin = jnp.zeros((1, _BB), f32)
    for k in range(_N_NUM):
        lin = lin + wnum_ref[0, k] * xnt[k:k + 1, :]

    vfm = jnp.reshape(x3, (_N_CAT * _FD, _BB))
    dn = (((1,), (0,)), ((), ()))
    h1t = lax.dot_general(w1n_ref[...], xnt, dn, preferred_element_type=f32)
    h1t = h1t + lax.dot_general(w1c_ref[...], vfm, dn,
                                preferred_element_type=f32)
    h1t = jnp.maximum(h1t, 0.0)
    h2t = jnp.maximum(
        lax.dot_general(w2_ref[...], h1t, dn, preferred_element_type=f32),
        0.0)
    h2 = jnp.transpose(h2t, (1, 0))
    deep = jnp.sum(h2 * w3_ref[...], axis=1, keepdims=True)

    row = lin + inter
    out_ref[...] = (jnp.transpose(row, (1, 0)) + deep
                    + (bias_ref[0, 0] + b3_ref[0, 0]))


def _dense(vg, xnt, W_num, v_num, w1n, w1c, W2, W3, b3, bias):
    rep = lambda i: (0, 0)
    return pl.pallas_call(
        _dense_body,
        grid=(_B // _BB,),
        in_specs=[
            pl.BlockSpec((_N_CAT, _FD, _BB), lambda i: (0, 0, i)),
            pl.BlockSpec((_N_NUM, _BB), lambda i: (0, i)),
            pl.BlockSpec((1, _N_NUM), rep),
            pl.BlockSpec((_N_NUM, _FD), rep),
            pl.BlockSpec((_H1, _N_NUM), rep),
            pl.BlockSpec((_H1, _N_CAT * _FD), rep),
            pl.BlockSpec((_H2, _H1), rep),
            pl.BlockSpec((1, _H2), rep),
            pl.BlockSpec((1, 1), rep),
            pl.BlockSpec((1, 1), rep),
        ],
        out_specs=pl.BlockSpec((_BB, 1), lambda i: (i, 0)),
        out_shape=jax.ShapeDtypeStruct((_B, 1), jnp.float32),
        compiler_params=pltpu.CompilerParams(
            dimension_semantics=("parallel",)),
    )(vg, xnt, W_num, v_num, w1n, w1c, W2, W3, b3, bias)


def kernel(x_num, x_cat, bias, W_num, lin_cat, v_num, v_cat, W1, b1, W2, b2,
           W3, b3):
    del lin_cat, b1, b2
    vt = jnp.transpose(v_cat, (0, 2, 1))
    idx3 = jnp.transpose(x_cat.astype(jnp.int32), (1, 0)).reshape(
        _N_CAT, 1, _B)
    vg = _sc_gather(vt, idx3)
    return _dense(
        vg, jnp.transpose(x_num, (1, 0)), W_num, v_num,
        W1[:, :_N_NUM], W1[:, _N_NUM:], W2, W3,
        b3.reshape(1, 1), bias.reshape(1, 1))

# --- scband reference (transcript-rebuilt; emitter-appended) ---
"""Pipeline reference for scband-deep-fm-26027501814310 (READ-ONLY COPY).

The authoritative reference and input builder live on the scoring server;
editing this copy changes nothing except your own understanding.
"""

import jax, jax.numpy as jnp
import numpy as np

B = 4096
N_NUM = 13
N_CAT = 26
VOCAB = 100000
FD = 16
H1 = 512
H2 = 256
DEEP_IN = N_NUM + N_CAT * FD


def setup_inputs(seed: int = 0) -> dict:
    key = jax.random.key(seed)
    ks = jax.random.split(key, 16)
    x_num = jax.random.normal(ks[0], (B, N_NUM), dtype=jnp.float32)
    x_cat = jax.random.randint(ks[1], (B, N_CAT), 0, VOCAB, dtype=jnp.int64)
    bias = jnp.zeros((1,), dtype=jnp.float32)
    W_num = jax.random.normal(ks[2], (1, N_NUM), dtype=jnp.float32) * (1.0 / np.sqrt(N_NUM))
    lin_cat = jnp.zeros((N_CAT, VOCAB, 1), dtype=jnp.float32)
    v_num = jax.random.normal(ks[3], (N_NUM, FD), dtype=jnp.float32) * 0.01
    v_cat = jax.random.normal(ks[4], (N_CAT, VOCAB, FD), dtype=jnp.float32) * 0.01
    W1 = jax.random.normal(ks[5], (H1, DEEP_IN), dtype=jnp.float32) * (1.0 / np.sqrt(DEEP_IN))
    b1 = jnp.zeros((H1,), dtype=jnp.float32)
    W2 = jax.random.normal(ks[6], (H2, H1), dtype=jnp.float32) * (1.0 / np.sqrt(H1))
    b2 = jnp.zeros((H2,), dtype=jnp.float32)
    W3 = jax.random.normal(ks[7], (1, H2), dtype=jnp.float32) * (1.0 / np.sqrt(H2))
    b3 = jnp.zeros((1,), dtype=jnp.float32)
    return {"x_num": x_num, "x_cat": x_cat, "bias": bias, "W_num": W_num,
            "lin_cat": lin_cat, "v_num": v_num, "v_cat": v_cat,
            "W1": W1, "b1": b1, "W2": W2, "b2": b2, "W3": W3, "b3": b3}


def reference(x_num, x_cat, bias, W_num, lin_cat, v_num, v_cat, W1, b1, W2, b2, W3, b3):
    field_idx = jnp.arange(N_CAT)[None, :]
    # linear part
    out = bias[None, :] + x_num @ W_num.T  # [B, 1]
    lin_vals = lin_cat[field_idx, x_cat]   # [B, N_CAT, 1] gather
    out = out + lin_vals.sum(axis=1)
    # FM second-order part
    v_num_e = x_num[:, :, None] * v_num[None, :, :]       # [B, N_NUM, FD]
    v_cat_e = v_cat[field_idx, x_cat]                      # [B, N_CAT, FD] gather
    v = jnp.concatenate([v_num_e, v_cat_e], axis=1)        # [B, N_NUM+N_CAT, FD]
    sum_v = v.sum(axis=1)
    interactions = 0.5 * (sum_v * sum_v - (v * v).sum(axis=1)).sum(axis=1, keepdims=True)
    # deep part
    deep_in = jnp.concatenate([x_num, v_cat_e.reshape(v_cat_e.shape[0], -1)], axis=1)
    h = jax.nn.relu(deep_in @ W1.T + b1)
    h = jax.nn.relu(h @ W2.T + b2)
    deep_out = h @ W3.T + b3
    return out + interactions + deep_out

if __name__ == "__main__":
    import jax
    _d = setup_inputs()
    print(jax.jit(kernel)(*tuple(_d.values())))

</pallas_src>

<mosaic_0001>
#map = affine_map<(d0, d1) -> (0, 0, 0)>
module attributes {stable_mosaic.version = 14 : i64} {
  func.func @_gather_body(%arg0: i32, %arg1: i32, %arg2: memref<26x16x100000xf32, #tpu.memory_space<hbm>>, %arg3: memref<26x1x4096xi32, #tpu.memory_space<hbm>>, %arg4: memref<26x16x4096xf32, #tpu.memory_space<hbm>>, %arg5: memref<1x100000xf32, #tpu.memory_space<vmem>>, %arg6: memref<1x4096xi32, #tpu.memory_space<vmem>>, %arg7: memref<1x4096xf32, #tpu.memory_space<vmem>>, %arg8: memref<!tpu.dma_semaphore, #tpu.memory_space<semaphore_mem>>, %arg9: memref<!tpu.dma_semaphore, #tpu.memory_space<semaphore_mem>>) attributes {dimension_semantics = [#tpu.dimension_semantics<core_parallel>, #tpu.dimension_semantics<subcore_parallel>], iteration_bounds = array<i64: 2, 16>, scalar_prefetch = 0 : i64, scratch_operands = 5 : i64, tpu.core_type = #tpu.core_type<sc_vector_subcore>, window_params = [{transform_indices = #map}, {transform_indices = #map}, {transform_indices = #map}]} {
    %broadcast_in_dim3A = arith.constant 0 : i32
    %broadcast_in_dim3A_0 = vector.broadcast %broadcast_in_dim3A : i32 to vector<16xi32>
    %scan3A = arith.constant 0 : i32
    %scan3A_1 = arith.constant 0 : i32
    %scan3A_2 = arith.constant 13 : i32
    %scan3A_3 = arith.addi %scan3A_1, %scan3A_2 : i32
    %scan3A_4 = arith.constant 1 : i32
    scf.for %scan3A_14 = %scan3A_1 to %scan3A_3 step %scan3A_4  : i32 {
      %mul3A_15 = arith.constant 13 : i32
      %mul3A_16 = arith.muli %arg0, %mul3A_15 : i32
      %add3A_17 = arith.addi %mul3A_16, %scan3A_14 : i32
      %dma_start3A = arith.constant 0 : i32
      %dma_start3A_18 = tpu.memref_slice %arg2[%add3A_17, %arg1, %dma_start3A] : memref<26x16x100000xf32, #tpu.memory_space<hbm>> -> memref<1x1x100000xf32, #tpu.memory_space<hbm>>
      %dma_start3A_19 = tpu.memref_squeeze %dma_start3A_18 : memref<1x1x100000xf32, #tpu.memory_space<hbm>> -> memref<1x100000xf32, #tpu.memory_space<hbm>>
      %dma_start3A_20 = arith.constant 0 : i32
      %dma_start3A_21 = tpu.memref_slice %arg2[%add3A_17, %arg1, %dma_start3A_20] : memref<26x16x100000xf32, #tpu.memory_space<hbm>> -> memref<1x1x100000xf32, #tpu.memory_space<hbm>>
      %dma_start3A_22 = tpu.memref_squeeze %dma_start3A_21 : memref<1x1x100000xf32, #tpu.memory_space<hbm>> -> memref<1x100000xf32, #tpu.memory_space<hbm>>
      tpu.enqueue_dma source(%dma_start3A_22 : memref<1x100000xf32, #tpu.memory_space<hbm>>) target(%arg5 : memref<1x100000xf32, #tpu.memory_space<vmem>>) target_semaphore(%arg8 : memref<!tpu.dma_semaphore, #tpu.memory_space<semaphore_mem>>)
      "tpu.region"() ({
        %run_scoped3A = tpu.sem_alloc : memref<!tpu.dma_semaphore, #tpu.memory_space<semaphore_mem>>
        %dma_start3A_43 = arith.constant 0 : i32
        %dma_start3A_44 = arith.constant 0 : i32
        %dma_start3A_45 = tpu.memref_slice %arg3[%add3A_17, %dma_start3A_43, %dma_start3A_44] : memref<26x1x4096xi32, #tpu.memory_space<hbm>> -> memref<1x1x4096xi32, #tpu.memory_space<hbm>>
        %dma_start3A_46 = tpu.memref_squeeze %dma_start3A_45 : memref<1x1x4096xi32, #tpu.memory_space<hbm>> -> memref<1x4096xi32, #tpu.memory_space<hbm>>
        %dma_start3A_47 = arith.constant 0 : i32
        %dma_start3A_48 = arith.constant 0 : i32
        %dma_start3A_49 = tpu.memref_slice %arg3[%add3A_17, %dma_start3A_47, %dma_start3A_48] : memref<26x1x4096xi32, #tpu.memory_space<hbm>> -> memref<1x1x4096xi32, #tpu.memory_space<hbm>>
        %dma_start3A_50 = tpu.memref_squeeze %dma_start3A_49 : memref<1x1x4096xi32, #tpu.memory_space<hbm>> -> memref<1x4096xi32, #tpu.memory_space<hbm>>
        tpu.enqueue_dma source(%dma_start3A_50 : memref<1x4096xi32, #tpu.memory_space<hbm>>) target(%arg6 : memref<1x4096xi32, #tpu.memory_space<vmem>>) target_semaphore(%run_scoped3A : memref<!tpu.dma_semaphore, #tpu.memory_space<semaphore_mem>>)
        %dma_wait3A_51 = arith.constant 0 : i32
        %dma_wait3A_52 = arith.constant 0 : i32
        %dma_wait3A_53 = tpu.memref_slice %arg3[%add3A_17, %dma_wait3A_51, %dma_wait3A_52] : memref<26x1x4096xi32, #tpu.memory_space<hbm>> -> memref<1x1x4096xi32, #tpu.memory_space<hbm>>
        %dma_wait3A_54 = tpu.memref_squeeze %dma_wait3A_53 : memref<1x1x4096xi32, #tpu.memory_space<hbm>> -> memref<1x4096xi32, #tpu.memory_space<hbm>>
        %dma_wait3A_55 = arith.constant 0 : i32
        %dma_wait3A_56 = arith.constant 0 : i32
        %dma_wait3A_57 = tpu.memref_slice %arg3[%add3A_17, %dma_wait3A_55, %dma_wait3A_56] : memref<26x1x4096xi32, #tpu.memory_space<hbm>> -> memref<1x1x4096xi32, #tpu.memory_space<hbm>>
        %dma_wait3A_58 = tpu.memref_squeeze %dma_wait3A_57 : memref<1x1x4096xi32, #tpu.memory_space<hbm>> -> memref<1x4096xi32, #tpu.memory_space<hbm>>
        tpu.wait_dma2 semaphore(%run_scoped3A : memref<!tpu.dma_semaphore, #tpu.memory_space<semaphore_mem>>) src(%dma_wait3A_58 : memref<1x4096xi32, #tpu.memory_space<hbm>>) dst(%arg6 : memref<1x4096xi32, #tpu.memory_space<vmem>>)
        tpu.yield
      }) : () -> ()
      %gt3A = arith.constant 0 : i32
      %gt3A_23 = arith.cmpi sgt, %scan3A_14, %gt3A : i32
      %convert_element_type3A = arith.extui %gt3A_23 : i1 to i32
      %cond3A = arith.constant 0 : i32
      %cond3A_24 = arith.cmpi ne, %convert_element_type3A, %cond3A : i32
      scf.if %cond3A_24 {
        %sub3A_43 = arith.constant 1 : i32
        %sub3A_44 = arith.subi %add3A_17, %sub3A_43 : i32
        %dma_wait3A_45 = arith.constant 0 : i32
        %dma_wait3A_46 = tpu.memref_slice %arg4[%sub3A_44, %arg1, %dma_wait3A_45] : memref<26x16x4096xf32, #tpu.memory_space<hbm>> -> memref<1x1x4096xf32, #tpu.memory_space<hbm>>
        %dma_wait3A_47 = tpu.memref_squeeze %dma_wait3A_46 : memref<1x1x4096xf32, #tpu.memory_space<hbm>> -> memref<1x4096xf32, #tpu.memory_space<hbm>>
        %dma_wait3A_48 = arith.constant 0 : i32
        %dma_wait3A_49 = tpu.memref_slice %arg4[%sub3A_44, %arg1, %dma_wait3A_48] : memref<26x16x4096xf32, #tpu.memory_space<hbm>> -> memref<1x1x4096xf32, #tpu.memory_space<hbm>>
        %dma_wait3A_50 = tpu.memref_squeeze %dma_wait3A_49 : memref<1x1x4096xf32, #tpu.memory_space<hbm>> -> memref<1x4096xf32, #tpu.memory_space<hbm>>
        tpu.wait_dma2 semaphore(%arg9 : memref<!tpu.dma_semaphore, #tpu.memory_space<semaphore_mem>>) src(%arg7 : memref<1x4096xf32, #tpu.memory_space<vmem>>) dst(%dma_wait3A_50 : memref<1x4096xf32, #tpu.memory_space<hbm>>)
      } else {
      }
      %dma_wait3A_25 = arith.constant 0 : i32
      %dma_wait3A_26 = tpu.memref_slice %arg2[%add3A_17, %arg1, %dma_wait3A_25] : memref<26x16x100000xf32, #tpu.memory_space<hbm>> -> memref<1x1x100000xf32, #tpu.memory_space<hbm>>
      %dma_wait3A_27 = tpu.memref_squeeze %dma_wait3A_26 : memref<1x1x100000xf32, #tpu.memory_space<hbm>> -> memref<1x100000xf32, #tpu.memory_space<hbm>>
      %dma_wait3A_28 = arith.constant 0 : i32
      %dma_wait3A_29 = tpu.memref_slice %arg2[%add3A_17, %arg1, %dma_wait3A_28] : memref<26x16x100000xf32, #tpu.memory_space<hbm>> -> memref<1x1x100000xf32, #tpu.memory_space<hbm>>
      %dma_wait3A_30 = tpu.memref_squeeze %dma_wait3A_29 : memref<1x1x100000xf32, #tpu.memory_space<hbm>> -> memref<1x100000xf32, #tpu.memory_space<hbm>>
      tpu.wait_dma2 semaphore(%arg8 : memref<!tpu.dma_semaphore, #tpu.memory_space<semaphore_mem>>) src(%dma_wait3A_30 : memref<1x100000xf32, #tpu.memory_space<hbm>>) dst(%arg5 : memref<1x100000xf32, #tpu.memory_space<vmem>>)
      %scan3A_31 = arith.constant 0 : i32
      %scan3A_32 = arith.constant 0 : i32
      %scan3A_33 = arith.constant 256 : i32
      %scan3A_34 = arith.addi %scan3A_32, %scan3A_33 : i32
      %scan3A_35 = arith.constant 1 : i32
      scf.for %scan3A_43 = %scan3A_32 to %scan3A_34 step %scan3A_35  : i32 {
        %mul3A_44 = arith.constant 16 : i32
        %mul3A_45 = arith.muli %scan3A_43, %mul3A_44 : i32
        %get3A = arith.constant 0 : i32
        %get3A_46 = arith.index_cast %get3A : i32 to index
        %get3A_47 = arith.index_cast %mul3A_45 : i32 to index
        %get3A_48 = tpu.vector_load %arg6[%get3A_46, %get3A_47] {strides = array<i32>} : memref<1x4096xi32, #tpu.memory_space<vmem>>, vector<16xi32>,
        %gather3A = tpu.vector_load_idx %arg5[%broadcast_in_dim3A_0, %get3A_48] : memref<1x100000xf32, #tpu.memory_space<vmem>>[vector<16xi32>, vector<16xi32>], vector<16xf32>,
        %mul3A_49 = arith.constant 16 : i32
        %mul3A_50 = arith.muli %scan3A_43, %mul3A_49 : i32
        %swap3A = arith.constant 0 : i32
        %swap3A_51 = arith.index_cast %swap3A : i32 to index
        %swap3A_52 = arith.index_cast %mul3A_50 : i32 to index
        %swap3A_53 = tpu.vector_load %arg7[%swap3A_51, %swap3A_52] {strides = array<i32>} : memref<1x4096xf32, #tpu.memory_space<vmem>>, vector<16xf32>,
        tpu.vector_store %arg7[%swap3A_51, %swap3A_52], %gather3A {strides = array<i32>} : memref<1x4096xf32, #tpu.memory_space<vmem>>, vector<16xf32>,
      }
      %scan3A_36 = arith.constant 256 : i32
      %dma_start3A_37 = arith.constant 0 : i32
      %dma_start3A_38 = tpu.memref_slice %arg4[%add3A_17, %arg1, %dma_start3A_37] : memref<26x16x4096xf32, #tpu.memory_space<hbm>> -> memref<1x1x4096xf32, #tpu.memory_space<hbm>>
      %dma_start3A_39 = tpu.memref_squeeze %dma_start3A_38 : memref<1x1x4096xf32, #tpu.memory_space<hbm>> -> memref<1x4096xf32, #tpu.memory_space<hbm>>
      %dma_start3A_40 = arith.constant 0 : i32
      %dma_start3A_41 = tpu.memref_slice %arg4[%add3A_17, %arg1, %dma_start3A_40] : memref<26x16x4096xf32, #tpu.memory_space<hbm>> -> memref<1x1x4096xf32, #tpu.memory_space<hbm>>
      %dma_start3A_42 = tpu.memref_squeeze %dma_start3A_41 : memref<1x1x4096xf32, #tpu.memory_space<hbm>> -> memref<1x4096xf32, #tpu.memory_space<hbm>>
      tpu.enqueue_dma source(%arg7 : memref<1x4096xf32, #tpu.memory_space<vmem>>) target(%dma_start3A_42 : memref<1x4096xf32, #tpu.memory_space<hbm>>) target_semaphore(%arg9 : memref<!tpu.dma_semaphore, #tpu.memory_space<semaphore_mem>>)
    }
    %scan3A_5 = arith.constant 13 : i32
    %add3A = arith.constant 1 : i32
    %add3A_6 = arith.addi %arg0, %add3A : i32
    %mul3A = arith.constant 13 : i32
    %mul3A_7 = arith.muli %add3A_6, %mul3A : i32
    %sub3A = arith.constant 1 : i32
    %sub3A_8 = arith.subi %mul3A_7, %sub3A : i32
    %dma_wait3A = arith.constant 0 : i32
    %dma_wait3A_9 = tpu.memref_slice %arg4[%sub3A_8, %arg1, %dma_wait3A] : memref<26x16x4096xf32, #tpu.memory_space<hbm>> -> memref<1x1x4096xf32, #tpu.memory_space<hbm>>
    %dma_wait3A_10 = tpu.memref_squeeze %dma_wait3A_9 : memref<1x1x4096xf32, #tpu.memory_space<hbm>> -> memref<1x4096xf32, #tpu.memory_space<hbm>>
    %dma_wait3A_11 = arith.constant 0 : i32
    %dma_wait3A_12 = tpu.memref_slice %arg4[%sub3A_8, %arg1, %dma_wait3A_11] : memref<26x16x4096xf32, #tpu.memory_space<hbm>> -> memref<1x1x4096xf32, #tpu.memory_space<hbm>>
    %dma_wait3A_13 = tpu.memref_squeeze %dma_wait3A_12 : memref<1x1x4096xf32, #tpu.memory_space<hbm>> -> memref<1x4096xf32, #tpu.memory_space<hbm>>
    tpu.wait_dma2 semaphore(%arg9 : memref<!tpu.dma_semaphore, #tpu.memory_space<semaphore_mem>>) src(%arg7 : memref<1x4096xf32, #tpu.memory_space<vmem>>) dst(%dma_wait3A_13 : memref<1x4096xf32, #tpu.memory_space<hbm>>)
    return
  }
}

module attributes {stable_mosaic.version = 14 : i64} {
  func.func @_dense_body(%arg0: i32, %arg1: memref<26x16x512xf32, #tpu.memory_space<vmem>>, %arg2: memref<13x512xf32, #tpu.memory_space<vmem>>, %arg3: memref<1x13xf32, #tpu.memory_space<vmem>>, %arg4: memref<13x16xf32, #tpu.memory_space<vmem>>, %arg5: memref<512x13xf32, #tpu.memory_space<vmem>>, %arg6: memref<512x416xf32, #tpu.memory_space<vmem>>, %arg7: memref<256x512xf32, #tpu.memory_space<vmem>>, %arg8: memref<1x256xf32, #tpu.memory_space<vmem>>, %arg9: memref<1x1xf32, #tpu.memory_space<vmem>>, %arg10: memref<1x1xf32, #tpu.memory_space<vmem>>, %arg11: memref<512x1xf32, #tpu.memory_space<vmem>>) attributes {dimension_semantics = [#tpu.dimension_semantics<parallel>], iteration_bounds = array<i64: 8>, scalar_prefetch = 0 : i64, scratch_operands = 0 : i64, tpu.core_type = #tpu.core_type<tc>, window_params = [{transform_indices = @transform_0, window_bounds = array<i64: 26, 16, 512>}, {transform_indices = @transform_1, window_bounds = array<i64: 13, 512>}, {pipeline_mode = #tpu.pipeline_mode<synchronous>, transform_indices = @transform_2, window_bounds = array<i64: 1, 13>}, {pipeline_mode = #tpu.pipeline_mode<synchronous>, transform_indices = @transform_3, window_bounds = array<i64: 13, 16>}, {pipeline_mode = #tpu.pipeline_mode<synchronous>, transform_indices = @transform_4, window_bounds = array<i64: 512, 13>}, {pipeline_mode = #tpu.pipeline_mode<synchronous>, transform_indices = @transform_5, window_bounds = array<i64: 512, 416>}, {pipeline_mode = #tpu.pipeline_mode<synchronous>, transform_indices = @transform_6, window_bounds = array<i64: 256, 512>}, {pipeline_mode = #tpu.pipeline_mode<synchronous>, transform_indices = @transform_7, window_bounds = array<i64: 1, 256>}, {pipeline_mode = #tpu.pipeline_mode<synchronous>, transform_indices = @transform_8, window_bounds = array<i64: 1, 1>}, {pipeline_mode = #tpu.pipeline_mode<synchronous>, transform_indices = @transform_9, window_bounds = array<i64: 1, 1>}, {transform_indices = @transform_10, window_bounds = array<i64: 512, 1>}]} {
    %get3A = arith.constant 0 : index
    %get3A_0 = arith.constant 0 : index
    %get3A_1 = arith.constant 0 : index
    %get3A_2 = vector.load %arg1[%get3A, %get3A_0, %get3A_1] : memref<26x16x512xf32, #tpu.memory_space<vmem>>, vector<26x16x512xf32>
    %get3A_3 = arith.constant 0 : index
    %get3A_4 = arith.constant 0 : index
    %get3A_5 = vector.load %arg2[%get3A_3, %get3A_4] : memref<13x512xf32, #tpu.memory_space<vmem>>, vector<13x512xf32>
    %get3A_6 = arith.constant 0 : index
    %get3A_7 = arith.constant 0 : index
    %get3A_8 = vector.load %arg4[%get3A_6, %get3A_7] : memref<13x16xf32, #tpu.memory_space<vmem>>, vector<13x16xf32>
    %dot_general3A = arith.constant dense<0.000000e+00> : vector<16x512xf32>
    %dot_general3A_9 = tpu.matmul %get3A_8, %get3A_5, %dot_general3A {dimension_numbers = #tpu.dot_dimension_numbers<[0], [0], [1], [1], [0, 1, 1, 1], [], []>, transpose_lhs_hint = false} : vector<13x16xf32>, vector<13x512xf32>, vector<16x512xf32> -> vector<16x512xf32>
    %mul3A = arith.mulf %get3A_8, %get3A_8 : vector<13x16xf32>
    %mul3A_10 = arith.mulf %get3A_5, %get3A_5 : vector<13x512xf32>
    %dot_general3A_11 = arith.constant dense<0.000000e+00> : vector<16x512xf32>
    %dot_general3A_12 = tpu.matmul %mul3A, %mul3A_10, %dot_general3A_11 {dimension_numbers = #tpu.dot_dimension_numbers<[0], [0], [1], [1], [0, 1, 1, 1], [], []>, transpose_lhs_hint = false} : vector<13x16xf32>, vector<13x512xf32>, vector<16x512xf32> -> vector<16x512xf32>
    %slice3A = vector.extract_strided_slice %get3A_2 {offsets = [0, 0, 0], sizes = [1, 16, 512], strides = [1, 1, 1]} : vector<26x16x512xf32> to vector<1x16x512xf32>
    %squeeze3A = vector.shape_cast %slice3A : vector<1x16x512xf32> to vector<16x512xf32>
    %add3A = arith.addf %dot_general3A_9, %squeeze3A : vector<16x512xf32>
    %mul3A_13 = arith.mulf %squeeze3A, %squeeze3A : vector<16x512xf32>
    %add3A_14 = arith.addf %dot_general3A_12, %mul3A_13 : vector<16x512xf32>
    %slice3A_15 = vector.extract_strided_slice %get3A_2 {offsets = [1, 0, 0], sizes = [1, 16, 512], strides = [1, 1, 1]} : vector<26x16x512xf32> to vector<1x16x512xf32>
    %squeeze3A_16 = vector.shape_cast %slice3A_15 : vector<1x16x512xf32> to vector<16x512xf32>
    %add3A_17 = arith.addf %add3A, %squeeze3A_16 : vector<16x512xf32>
    %mul3A_18 = arith.mulf %squeeze3A_16, %squeeze3A_16 : vector<16x512xf32>
    %add3A_19 = arith.addf %add3A_14, %mul3A_18 : vector<16x512xf32>
    %slice3A_20 = vector.extract_strided_slice %get3A_2 {offsets = [2, 0, 0], sizes = [1, 16, 512], strides = [1, 1, 1]} : vector<26x16x512xf32> to vector<1x16x512xf32>
    %squeeze3A_21 = vector.shape_cast %slice3A_20 : vector<1x16x512xf32> to vector<16x512xf32>
    %add3A_22 = arith.addf %add3A_17, %squeeze3A_21 : vector<16x512xf32>
    %mul3A_23 = arith.mulf %squeeze3A_21, %squeeze3A_21 : vector<16x512xf32>
    %add3A_24 = arith.addf %add3A_19, %mul3A_23 : vector<16x512xf32>
    %slice3A_25 = vector.extract_strided_slice %get3A_2 {offsets = [3, 0, 0], sizes = [1, 16, 512], strides = [1, 1, 1]} : vector<26x16x512xf32> to vector<1x16x512xf32>
    %squeeze3A_26 = vector.shape_cast %slice3A_25 : vector<1x16x512xf32> to vector<16x512xf32>
    %add3A_27 = arith.addf %add3A_22, %squeeze3A_26 : vector<16x512xf32>
    %mul3A_28 = arith.mulf %squeeze3A_26, %squeeze3A_26 : vector<16x512xf32>
    %add3A_29 = arith.addf %add3A_24, %mul3A_28 : vector<16x512xf32>
    %slice3A_30 = vector.extract_strided_slice %get3A_2 {offsets = [4, 0, 0], sizes = [1, 16, 512], strides = [1, 1, 1]} : vector<26x16x512xf32> to vector<1x16x512xf32>
    %squeeze3A_31 = vector.shape_cast %slice3A_30 : vector<1x16x512xf32> to vector<16x512xf32>
    %add3A_32 = arith.addf %add3A_27, %squeeze3A_31 : vector<16x512xf32>
    %mul3A_33 = arith.mulf %squeeze3A_31, %squeeze3A_31 : vector<16x512xf32>
    %add3A_34 = arith.addf %add3A_29, %mul3A_33 : vector<16x512xf32>
    %slice3A_35 = vector.extract_strided_slice %get3A_2 {offsets = [5, 0, 0], sizes = [1, 16, 512], strides = [1, 1, 1]} : vector<26x16x512xf32> to vector<1x16x512xf32>
    %squeeze3A_36 = vector.shape_cast %slice3A_35 : vector<1x16x512xf32> to vector<16x512xf32>
    %add3A_37 = arith.addf %add3A_32, %squeeze3A_36 : vector<16x512xf32>
    %mul3A_38 = arith.mulf %squeeze3A_36, %squeeze3A_36 : vector<16x512xf32>
    %add3A_39 = arith.addf %add3A_34, %mul3A_38 : vector<16x512xf32>
    %slice3A_40 = vector.extract_strided_slice %get3A_2 {offsets = [6, 0, 0], sizes = [1, 16, 512], strides = [1, 1, 1]} : vector<26x16x512xf32> to vector<1x16x512xf32>
    %squeeze3A_41 = vector.shape_cast %slice3A_40 : vector<1x16x512xf32> to vector<16x512xf32>
    %add3A_42 = arith.addf %add3A_37, %squeeze3A_41 : vector<16x512xf32>
    %mul3A_43 = arith.mulf %squeeze3A_41, %squeeze3A_41 : vector<16x512xf32>
    %add3A_44 = arith.addf %add3A_39, %mul3A_43 : vector<16x512xf32>
    %slice3A_45 = vector.extract_strided_slice %get3A_2 {offsets = [7, 0, 0], sizes = [1, 16, 512], strides = [1, 1, 1]} : vector<26x16x512xf32> to vector<1x16x512xf32>
    %squeeze3A_46 = vector.shape_cast %slice3A_45 : vector<1x16x512xf32> to vector<16x512xf32>
    %add3A_47 = arith.addf %add3A_42, %squeeze3A_46 : vector<16x512xf32>
    %mul3A_48 = arith.mulf %squeeze3A_46, %squeeze3A_46 : vector<16x512xf32>
    %add3A_49 = arith.addf %add3A_44, %mul3A_48 : vector<16x512xf32>
    %slice3A_50 = vector.extract_strided_slice %get3A_2 {offsets = [8, 0, 0], sizes = [1, 16, 512], strides = [1, 1, 1]} : vector<26x16x512xf32> to vector<1x16x512xf32>
    %squeeze3A_51 = vector.shape_cast %slice3A_50 : vector<1x16x512xf32> to vector<16x512xf32>
    %add3A_52 = arith.addf %add3A_47, %squeeze3A_51 : vector<16x512xf32>
    %mul3A_53 = arith.mulf %squeeze3A_51, %squeeze3A_51 : vector<16x512xf32>
    %add3A_54 = arith.addf %add3A_49, %mul3A_53 : vector<16x512xf32>
    %slice3A_55 = vector.extract_strided_slice %get3A_2 {offsets = [9, 0, 0], sizes = [1, 16, 512], strides = [1, 1, 1]} : vector<26x16x512xf32> to vector<1x16x512xf32>
    %squeeze3A_56 = vector.shape_cast %slice3A_55 : vector<1x16x512xf32> to vector<16x512xf32>
    %add3A_57 = arith.addf %add3A_52, %squeeze3A_56 : vector<16x512xf32>
    %mul3A_58 = arith.mulf %squeeze3A_56, %squeeze3A_56 : vector<16x512xf32>
    %add3A_59 = arith.addf %add3A_54, %mul3A_58 : vector<16x512xf32>
    %slice3A_60 = vector.extract_strided_slice %get3A_2 {offsets = [10, 0, 0], sizes = [1, 16, 512], strides = [1, 1, 1]} : vector<26x16x512xf32> to vector<1x16x512xf32>
    %squeeze3A_61 = vector.shape_cast %slice3A_60 : vector<1x16x512xf32> to vector<16x512xf32>
    %add3A_62 = arith.addf %add3A_57, %squeeze3A_61 : vector<16x512xf32>
    %mul3A_63 = arith.mulf %squeeze3A_61, %squeeze3A_61 : vector<16x512xf32>
    %add3A_64 = arith.addf %add3A_59, %mul3A_63 : vector<16x512xf32>
    %slice3A_65 = vector.extract_strided_slice %get3A_2 {offsets = [11, 0, 0], sizes = [1, 16, 512], strides = [1, 1, 1]} : vector<26x16x512xf32> to vector<1x16x512xf32>
    %squeeze3A_66 = vector.shape_cast %slice3A_65 : vector<1x16x512xf32> to vector<16x512xf32>
    %add3A_67 = arith.addf %add3A_62, %squeeze3A_66 : vector<16x512xf32>
    %mul3A_68 = arith.mulf %squeeze3A_66, %squeeze3A_66 : vector<16x512xf32>
    %add3A_69 = arith.addf %add3A_64, %mul3A_68 : vector<16x512xf32>
    %slice3A_70 = vector.extract_strided_slice %get3A_2 {offsets = [12, 0, 0], sizes = [1, 16, 512], strides = [1, 1, 1]} : vector<26x16x512xf32> to vector<1x16x512xf32>
    %squeeze3A_71 = vector.shape_cast %slice3A_70 : vector<1x16x512xf32> to vector<16x512xf32>
    %add3A_72 = arith.addf %add3A_67, %squeeze3A_71 : vector<16x512xf32>
    %mul3A_73 = arith.mulf %squeeze3A_71, %squeeze3A_71 : vector<16x512xf32>
    %add3A_74 = arith.addf %add3A_69, %mul3A_73 : vector<16x512xf32>
    %slice3A_75 = vector.extract_strided_slice %get3A_2 {offsets = [13, 0, 0], sizes = [1, 16, 512], strides = [1, 1, 1]} : vector<26x16x512xf32> to vector<1x16x512xf32>
    %squeeze3A_76 = vector.shape_cast %slice3A_75 : vector<1x16x512xf32> to vector<16x512xf32>
    %add3A_77 = arith.addf %add3A_72, %squeeze3A_76 : vector<16x512xf32>
    %mul3A_78 = arith.mulf %squeeze3A_76, %squeeze3A_76 : vector<16x512xf32>
    %add3A_79 = arith.addf %add3A_74, %mul3A_78 : vector<16x512xf32>
    %slice3A_80 = vector.extract_strided_slice %get3A_2 {offsets = [14, 0, 0], sizes = [1, 16, 512], strides = [1, 1, 1]} : vector<26x16x512xf32> to vector<1x16x512xf32>
    %squeeze3A_81 = vector.shape_cast %slice3A_80 : vector<1x16x512xf32> to vector<16x512xf32>
    %add3A_82 = arith.addf %add3A_77, %squeeze3A_81 : vector<16x512xf32>
    %mul3A_83 = arith.mulf %squeeze3A_81, %squeeze3A_81 : vector<16x512xf32>
    %add3A_84 = arith.addf %add3A_79, %mul3A_83 : vector<16x512xf32>
    %slice3A_85 = vector.extract_strided_slice %get3A_2 {offsets = [15, 0, 0], sizes = [1, 16, 512], strides = [1, 1, 1]} : vector<26x16x512xf32> to vector<1x16x512xf32>
    %squeeze3A_86 = vector.shape_cast %slice3A_85 : vector<1x16x512xf32> to vector<16x512xf32>
    %add3A_87 = arith.addf %add3A_82, %squeeze3A_86 : vector<16x512xf32>
    %mul3A_88 = arith.mulf %squeeze3A_86, %squeeze3A_86 : vector<16x512xf32>
    %add3A_89 = arith.addf %add3A_84, %mul3A_88 : vector<16x512xf32>
    %slice3A_90 = vector.extract_strided_slice %get3A_2 {offsets = [16, 0, 0], sizes = [1, 16, 512], strides = [1, 1, 1]} : vector<26x16x512xf32> to vector<1x16x512xf32>
    %squeeze3A_91 = vector.shape_cast %slice3A_90 : vector<1x16x512xf32> to vector<16x512xf32>
    %add3A_92 = arith.addf %add3A_87, %squeeze3A_91 : vector<16x512xf32>
    %mul3A_93 = arith.mulf %squeeze3A_91, %squeeze3A_91 : vector<16x512xf32>
    %add3A_94 = arith.addf %add3A_89, %mul3A_93 : vector<16x512xf32>
    %slice3A_95 = vector.extract_strided_slice %get3A_2 {offsets = [17, 0, 0], sizes = [1, 16, 512], strides = [1, 1, 1]} : vector<26x16x512xf32> to vector<1x16x512xf32>
    %squeeze3A_96 = vector.shape_cast %slice3A_95 : vector<1x16x512xf32> to vector<16x512xf32>
    %add3A_97 = arith.addf %add3A_92, %squeeze3A_96 : vector<16x512xf32>
    %mul3A_98 = arith.mulf %squeeze3A_96, %squeeze3A_96 : vector<16x512xf32>
    %add3A_99 = arith.addf %add3A_94, %mul3A_98 : vector<16x512xf32>
    %slice3A_100 = vector.extract_strided_slice %get3A_2 {offsets = [18, 0, 0], sizes = [1, 16, 512], strides = [1, 1, 1]} : vector<26x16x512xf32> to vector<1x16x512xf32>
    %squeeze3A_101 = vector.shape_cast %slice3A_100 : vector<1x16x512xf32> to vector<16x512xf32>
    %add3A_102 = arith.addf %add3A_97, %squeeze3A_101 : vector<16x512xf32>
    %mul3A_103 = arith.mulf %squeeze3A_101, %squeeze3A_101 : vector<16x512xf32>
    %add3A_104 = arith.addf %add3A_99, %mul3A_103 : vector<16x512xf32>
    %slice3A_105 = vector.extract_strided_slice %get3A_2 {offsets = [19, 0, 0], sizes = [1, 16, 512], strides = [1, 1, 1]} : vector<26x16x512xf32> to vector<1x16x512xf32>
    %squeeze3A_106 = vector.shape_cast %slice3A_105 : vector<1x16x512xf32> to vector<16x512xf32>
    %add3A_107 = arith.addf %add3A_102, %squeeze3A_106 : vector<16x512xf32>
    %mul3A_108 = arith.mulf %squeeze3A_106, %squeeze3A_106 : vector<16x512xf32>
    %add3A_109 = arith.addf %add3A_104, %mul3A_108 : vector<16x512xf32>
    %slice3A_110 = vector.extract_strided_slice %get3A_2 {offsets = [20, 0, 0], sizes = [1, 16, 512], strides = [1, 1, 1]} : vector<26x16x512xf32> to vector<1x16x512xf32>
    %squeeze3A_111 = vector.shape_cast %slice3A_110 : vector<1x16x512xf32> to vector<16x512xf32>
    %add3A_112 = arith.addf %add3A_107, %squeeze3A_111 : vector<16x512xf32>
    %mul3A_113 = arith.mulf %squeeze3A_111, %squeeze3A_111 : vector<16x512xf32>
    %add3A_114 = arith.addf %add3A_109, %mul3A_113 : vector<16x512xf32>
    %slice3A_115 = vector.extract_strided_slice %get3A_2 {offsets = [21, 0, 0], sizes = [1, 16, 512], strides = [1, 1, 1]} : vector<26x16x512xf32> to vector<1x16x512xf32>
    %squeeze3A_116 = vector.shape_cast %slice3A_115 : vector<1x16x512xf32> to vector<16x512xf32>
    %add3A_117 = arith.addf %add3A_112, %squeeze3A_116 : vector<16x512xf32>
    %mul3A_118 = arith.mulf %squeeze3A_116, %squeeze3A_116 : vector<16x512xf32>
    %add3A_119 = arith.addf %add3A_114, %mul3A_118 : vector<16x512xf32>
    %slice3A_120 = vector.extract_strided_slice %get3A_2 {offsets = [22, 0, 0], sizes = [1, 16, 512], strides = [1, 1, 1]} : vector<26x16x512xf32> to vector<1x16x512xf32>
    %squeeze3A_121 = vector.shape_cast %slice3A_120 : vector<1x16x512xf32> to vector<16x512xf32>
    %add3A_122 = arith.addf %add3A_117, %squeeze3A_121 : vector<16x512xf32>
    %mul3A_123 = arith.mulf %squeeze3A_121, %squeeze3A_121 : vector<16x512xf32>
    %add3A_124 = arith.addf %add3A_119, %mul3A_123 : vector<16x512xf32>
    %slice3A_125 = vector.extract_strided_slice %get3A_2 {offsets = [23, 0, 0], sizes = [1, 16, 512], strides = [1, 1, 1]} : vector<26x16x512xf32> to vector<1x16x512xf32>
    %squeeze3A_126 = vector.shape_cast %slice3A_125 : vector<1x16x512xf32> to vector<16x512xf32>
    %add3A_127 = arith.addf %add3A_122, %squeeze3A_126 : vector<16x512xf32>
    %mul3A_128 = arith.mulf %squeeze3A_126, %squeeze3A_126 : vector<16x512xf32>
    %add3A_129 = arith.addf %add3A_124, %mul3A_128 : vector<16x512xf32>
    %slice3A_130 = vector.extract_strided_slice %get3A_2 {offsets = [24, 0, 0], sizes = [1, 16, 512], strides = [1, 1, 1]} : vector<26x16x512xf32> to vector<1x16x512xf32>
    %squeeze3A_131 = vector.shape_cast %slice3A_130 : vector<1x16x512xf32> to vector<16x512xf32>
    %add3A_132 = arith.addf %add3A_127, %squeeze3A_131 : vector<16x512xf32>
    %mul3A_133 = arith.mulf %squeeze3A_131, %squeeze3A_131 : vector<16x512xf32>
    %add3A_134 = arith.addf %add3A_129, %mul3A_133 : vector<16x512xf32>
    %slice3A_135 = vector.extract_strided_slice %get3A_2 {offsets = [25, 0, 0], sizes = [1, 16, 512], strides = [1, 1, 1]} : vector<26x16x512xf32> to vector<1x16x512xf32>
    %squeeze3A_136 = vector.shape_cast %slice3A_135 : vector<1x16x512xf32> to vector<16x512xf32>
    %add3A_137 = arith.addf %add3A_132, %squeeze3A_136 : vector<16x512xf32>
    %mul3A_138 = arith.mulf %squeeze3A_136, %squeeze3A_136 : vector<16x512xf32>
    %add3A_139 = arith.addf %add3A_134, %mul3A_138 : vector<16x512xf32>
    %mul3A_140 = arith.mulf %add3A_137, %add3A_137 : vector<16x512xf32>
    %sub3A = arith.subf %mul3A_140, %add3A_139 : vector<16x512xf32>
    %reduce_sum3A = arith.constant dense<0.000000e+00> : vector<512xf32>
    %reduce_sum3A_141 = vector.multi_reduction <add>, %sub3A, %reduce_sum3A [0] : vector<16x512xf32> to vector<512xf32>
    %broadcast_in_dim3A = vector.shape_cast %reduce_sum3A_141 : vector<512xf32> to vector<1x512xf32>
    %mul3A_142 = arith.constant 5.000000e-01 : f32
    %mul3A_143 = vector.broadcast %mul3A_142 : f32 to vector<1x512xf32>
    %mul3A_144 = arith.mulf %mul3A_143, %broadcast_in_dim3A : vector<1x512xf32>
    %broadcast_in_dim3A_145 = arith.constant 0.000000e+00 : f32
    %broadcast_in_dim3A_146 = vector.broadcast %broadcast_in_dim3A_145 : f32 to vector<1x512xf32>
    %get3A_147 = arith.constant 0 : index
    %get3A_148 = arith.constant 0 : index
    %get3A_149 = vector.load %arg3[%get3A_147, %get3A_148] : memref<1x13xf32, #tpu.memory_space<vmem>>, vector<1x1xf32>
    %get3A_150 = vector.extract %get3A_149[0, 0] : f32 from vector<1x1xf32>
    %slice3A_151 = vector.extract_strided_slice %get3A_5 {offsets = [0, 0], sizes = [1, 512], strides = [1, 1]} : vector<13x512xf32> to vector<1x512xf32>
    %mul3A_152 = vector.broadcast %get3A_150 : f32 to vector<1x512xf32>
    %mul3A_153 = arith.mulf %mul3A_152, %slice3A_151 : vector<1x512xf32>
    %add3A_154 = arith.addf %broadcast_in_dim3A_146, %mul3A_153 : vector<1x512xf32>
    %get3A_155 = arith.constant 0 : index
    %get3A_156 = arith.constant 1 : index
    %get3A_157 = vector.load %arg3[%get3A_155, %get3A_156] : memref<1x13xf32, #tpu.memory_space<vmem>>, vector<1x1xf32>
    %get3A_158 = vector.extract %get3A_157[0, 0] : f32 from vector<1x1xf32>
    %slice3A_159 = vector.extract_strided_slice %get3A_5 {offsets = [1, 0], sizes = [1, 512], strides = [1, 1]} : vector<13x512xf32> to vector<1x512xf32>
    %mul3A_160 = vector.broadcast %get3A_158 : f32 to vector<1x512xf32>
    %mul3A_161 = arith.mulf %mul3A_160, %slice3A_159 : vector<1x512xf32>
    %add3A_162 = arith.addf %add3A_154, %mul3A_161 : vector<1x512xf32>
    %get3A_163 = arith.constant 0 : index
    %get3A_164 = arith.constant 2 : index
    %get3A_165 = vector.load %arg3[%get3A_163, %get3A_164] : memref<1x13xf32, #tpu.memory_space<vmem>>, vector<1x1xf32>
    %get3A_166 = vector.extract %get3A_165[0, 0] : f32 from vector<1x1xf32>
    %slice3A_167 = vector.extract_strided_slice %get3A_5 {offsets = [2, 0], sizes = [1, 512], strides = [1, 1]} : vector<13x512xf32> to vector<1x512xf32>
    %mul3A_168 = vector.broadcast %get3A_166 : f32 to vector<1x512xf32>
    %mul3A_169 = arith.mulf %mul3A_168, %slice3A_167 : vector<1x512xf32>
    %add3A_170 = arith.addf %add3A_162, %mul3A_169 : vector<1x512xf32>
    %get3A_171 = arith.constant 0 : index
    %get3A_172 = arith.constant 3 : index
    %get3A_173 = vector.load %arg3[%get3A_171, %get3A_172] : memref<1x13xf32, #tpu.memory_space<vmem>>, vector<1x1xf32>
    %get3A_174 = vector.extract %get3A_173[0, 0] : f32 from vector<1x1xf32>
    %slice3A_175 = vector.extract_strided_slice %get3A_5 {offsets = [3, 0], sizes = [1, 512], strides = [1, 1]} : vector<13x512xf32> to vector<1x512xf32>
    %mul3A_176 = vector.broadcast %get3A_174 : f32 to vector<1x512xf32>
    %mul3A_177 = arith.mulf %mul3A_176, %slice3A_175 : vector<1x512xf32>
    %add3A_178 = arith.addf %add3A_170, %mul3A_177 : vector<1x512xf32>
    %get3A_179 = arith.constant 0 : index
    %get3A_180 = arith.constant 4 : index
    %get3A_181 = vector.load %arg3[%get3A_179, %get3A_180] : memref<1x13xf32, #tpu.memory_space<vmem>>, vector<1x1xf32>
    %get3A_182 = vector.extract %get3A_181[0, 0] : f32 from vector<1x1xf32>
    %slice3A_183 = vector.extract_strided_slice %get3A_5 {offsets = [4, 0], sizes = [1, 512], strides = [1, 1]} : vector<13x512xf32> to vector<1x512xf32>
    %mul3A_184 = vector.broadcast %get3A_182 : f32 to vector<1x512xf32>
    %mul3A_185 = arith.mulf %mul3A_184, %slice3A_183 : vector<1x512xf32>
    %add3A_186 = arith.addf %add3A_178, %mul3A_185 : vector<1x512xf32>
    %get3A_187 = arith.constant 0 : index
    %get3A_188 = arith.constant 5 : index
    %get3A_189 = vector.load %arg3[%get3A_187, %get3A_188] : memref<1x13xf32, #tpu.memory_space<vmem>>, vector<1x1xf32>
    %get3A_190 = vector.extract %get3A_189[0, 0] : f32 from vector<1x1xf32>
    %slice3A_191 = vector.extract_strided_slice %get3A_5 {offsets = [5, 0], sizes = [1, 512], strides = [1, 1]} : vector<13x512xf32> to vector<1x512xf32>
    %mul3A_192 = vector.broadcast %get3A_190 : f32 to vector<1x512xf32>
    %mul3A_193 = arith.mulf %mul3A_192, %slice3A_191 : vector<1x512xf32>
    %add3A_194 = arith.addf %add3A_186, %mul3A_193 : vector<1x512xf32>
    %get3A_195 = arith.constant 0 : index
    %get3A_196 = arith.constant 6 : index
    %get3A_197 = vector.load %arg3[%get3A_195, %get3A_196] : memref<1x13xf32, #tpu.memory_space<vmem>>, vector<1x1xf32>
    %get3A_198 = vector.extract %get3A_197[0, 0] : f32 from vector<1x1xf32>
    %slice3A_199 = vector.extract_strided_slice %get3A_5 {offsets = [6, 0], sizes = [1, 512], strides = [1, 1]} : vector<13x512xf32> to vector<1x512xf32>
    %mul3A_200 = vector.broadcast %get3A_198 : f32 to vector<1x512xf32>
    %mul3A_201 = arith.mulf %mul3A_200, %slice3A_199 : vector<1x512xf32>
    %add3A_202 = arith.addf %add3A_194, %mul3A_201 : vector<1x512xf32>
    %get3A_203 = arith.constant 0 : index
    %get3A_204 = arith.constant 7 : index
    %get3A_205 = vector.load %arg3[%get3A_203, %get3A_204] : memref<1x13xf32, #tpu.memory_space<vmem>>, vector<1x1xf32>
    %get3A_206 = vector.extract %get3A_205[0, 0] : f32 from vector<1x1xf32>
    %slice3A_207 = vector.extract_strided_slice %get3A_5 {offsets = [7, 0], sizes = [1, 512], strides = [1, 1]} : vector<13x512xf32> to vector<1x512xf32>
    %mul3A_208 = vector.broadcast %get3A_206 : f32 to vector<1x512xf32>
    %mul3A_209 = arith.mulf %mul3A_208, %slice3A_207 : vector<1x512xf32>
    %add3A_210 = arith.addf %add3A_202, %mul3A_209 : vector<1x512xf32>
    %get3A_211 = arith.constant 0 : index
    %get3A_212 = arith.constant 8 : index
    %get3A_213 = vector.load %arg3[%get3A_211, %get3A_212] : memref<1x13xf32, #tpu.memory_space<vmem>>, vector<1x1xf32>
    %get3A_214 = vector.extract %get3A_213[0, 0] : f32 from vector<1x1xf32>
    %slice3A_215 = vector.extract_strided_slice %get3A_5 {offsets = [8, 0], sizes = [1, 512], strides = [1, 1]} : vector<13x512xf32> to vector<1x512xf32>
    %mul3A_216 = vector.broadcast %get3A_214 : f32 to vector<1x512xf32>
    %mul3A_217 = arith.mulf %mul3A_216, %slice3A_215 : vector<1x512xf32>
    %add3A_218 = arith.addf %add3A_210, %mul3A_217 : vector<1x512xf32>
    %get3A_219 = arith.constant 0 : index
    %get3A_220 = arith.constant 9 : index
    %get3A_221 = vector.load %arg3[%get3A_219, %get3A_220] : memref<1x13xf32, #tpu.memory_space<vmem>>, vector<1x1xf32>
    %get3A_222 = vector.extract %get3A_221[0, 0] : f32 from vector<1x1xf32>
    %slice3A_223 = vector.extract_strided_slice %get3A_5 {offsets = [9, 0], sizes = [1, 512], strides = [1, 1]} : vector<13x512xf32> to vector<1x512xf32>
    %mul3A_224 = vector.broadcast %get3A_222 : f32 to vector<1x512xf32>
    %mul3A_225 = arith.mulf %mul3A_224, %slice3A_223 : vector<1x512xf32>
    %add3A_226 = arith.addf %add3A_218, %mul3A_225 : vector<1x512xf32>
    %get3A_227 = arith.constant 0 : index
    %get3A_228 = arith.constant 10 : index
    %get3A_229 = vector.load %arg3[%get3A_227, %get3A_228] : memref<1x13xf32, #tpu.memory_space<vmem>>, vector<1x1xf32>
    %get3A_230 = vector.extract %get3A_229[0, 0] : f32 from vector<1x1xf32>
    %slice3A_231 = vector.extract_strided_slice %get3A_5 {offsets = [10, 0], sizes = [1, 512], strides = [1, 1]} : vector<13x512xf32> to vector<1x512xf32>
    %mul3A_232 = vector.broadcast %get3A_230 : f32 to vector<1x512xf32>
    %mul3A_233 = arith.mulf %mul3A_232, %slice3A_231 : vector<1x512xf32>
    %add3A_234 = arith.addf %add3A_226, %mul3A_233 : vector<1x512xf32>
    %get3A_235 = arith.constant 0 : index
    %get3A_236 = arith.constant 11 : index
    %get3A_237 = vector.load %arg3[%get3A_235, %get3A_236] : memref<1x13xf32, #tpu.memory_space<vmem>>, vector<1x1xf32>
    %get3A_238 = vector.extract %get3A_237[0, 0] : f32 from vector<1x1xf32>
    %slice3A_239 = vector.extract_strided_slice %get3A_5 {offsets = [11, 0], sizes = [1, 512], strides = [1, 1]} : vector<13x512xf32> to vector<1x512xf32>
    %mul3A_240 = vector.broadcast %get3A_238 : f32 to vector<1x512xf32>
    %mul3A_241 = arith.mulf %mul3A_240, %slice3A_239 : vector<1x512xf32>
    %add3A_242 = arith.addf %add3A_234, %mul3A_241 : vector<1x512xf32>
    %get3A_243 = arith.constant 0 : index
    %get3A_244 = arith.constant 12 : index
    %get3A_245 = vector.load %arg3[%get3A_243, %get3A_244] : memref<1x13xf32, #tpu.memory_space<vmem>>, vector<1x1xf32>
    %get3A_246 = vector.extract %get3A_245[0, 0] : f32 from vector<1x1xf32>
    %slice3A_247 = vector.extract_strided_slice %get3A_5 {offsets = [12, 0], sizes = [1, 512], strides = [1, 1]} : vector<13x512xf32> to vector<1x512xf32>
    %mul3A_248 = vector.broadcast %get3A_246 : f32 to vector<1x512xf32>
    %mul3A_249 = arith.mulf %mul3A_248, %slice3A_247 : vector<1x512xf32>
    %add3A_250 = arith.addf %add3A_242, %mul3A_249 : vector<1x512xf32>
    %reshape3A = vector.shape_cast %get3A_2 : vector<26x16x512xf32> to vector<416x512xf32>
    %get3A_251 = arith.constant 0 : index
    %get3A_252 = arith.constant 0 : index
    %get3A_253 = vector.load %arg5[%get3A_251, %get3A_252] : memref<512x13xf32, #tpu.memory_space<vmem>>, vector<512x13xf32>
    %dot_general3A_254 = arith.constant dense<0.000000e+00> : vector<512x512xf32>
    %dot_general3A_255 = tpu.matmul %get3A_253, %get3A_5, %dot_general3A_254 {dimension_numbers = #tpu.dot_dimension_numbers<[1], [0], [0], [1], [0, 0, 1, 1], [], []>, transpose_lhs_hint = false} : vector<512x13xf32>, vector<13x512xf32>, vector<512x512xf32> -> vector<512x512xf32>
    %get3A_256 = arith.constant 0 : index
    %get3A_257 = arith.constant 0 : index
    %get3A_258 = vector.load %arg6[%get3A_256, %get3A_257] : memref<512x416xf32, #tpu.memory_space<vmem>>, vector<512x416xf32>
    %dot_general3A_259 = arith.constant dense<0.000000e+00> : vector<512x512xf32>
    %dot_general3A_260 = tpu.matmul %get3A_258, %reshape3A, %dot_general3A_259 {dimension_numbers = #tpu.dot_dimension_numbers<[1], [0], [0], [1], [0, 0, 1, 1], [], []>, transpose_lhs_hint = false} : vector<512x416xf32>, vector<416x512xf32>, vector<512x512xf32> -> vector<512x512xf32>
    %add3A_261 = arith.addf %dot_general3A_255, %dot_general3A_260 : vector<512x512xf32>
    %max3A = arith.constant 0.000000e+00 : f32
    %max3A_262 = vector.broadcast %max3A : f32 to vector<512x512xf32>
    %max3A_263 = arith.maximumf %add3A_261, %max3A_262 : vector<512x512xf32>
    %get3A_264 = arith.constant 0 : index
    %get3A_265 = arith.constant 0 : index
    %get3A_266 = vector.load %arg7[%get3A_264, %get3A_265] : memref<256x512xf32, #tpu.memory_space<vmem>>, vector<256x512xf32>
    %dot_general3A_267 = arith.constant dense<0.000000e+00> : vector<256x512xf32>
    %dot_general3A_268 = tpu.matmul %get3A_266, %max3A_263, %dot_general3A_267 {dimension_numbers = #tpu.dot_dimension_numbers<[1], [0], [0], [1], [0, 0, 1, 1], [], []>, transpose_lhs_hint = false} : vector<256x512xf32>, vector<512x512xf32>, vector<256x512xf32> -> vector<256x512xf32>
    %max3A_269 = arith.constant 0.000000e+00 : f32
    %max3A_270 = vector.broadcast %max3A_269 : f32 to vector<256x512xf32>
    %max3A_271 = arith.maximumf %dot_general3A_268, %max3A_270 : vector<256x512xf32>
    %transpose3A = tpu.transpose %max3A_271, [1, 0] : vector<256x512xf32> -> vector<512x256xf32>
    %get3A_272 = arith.constant 0 : index
    %get3A_273 = arith.constant 0 : index
    %get3A_274 = vector.load %arg8[%get3A_272, %get3A_273] : memref<1x256xf32, #tpu.memory_space<vmem>>, vector<1x256xf32>
    %mul3A_275 = vector.broadcast %get3A_274 : vector<1x256xf32> to vector<512x256xf32>
    %mul3A_276 = arith.mulf %transpose3A, %mul3A_275 : vector<512x256xf32>
    %reduce_sum3A_277 = arith.constant dense<0.000000e+00> : vector<512xf32>
    %reduce_sum3A_278 = vector.multi_reduction <add>, %mul3A_276, %reduce_sum3A_277 [1] : vector<512x256xf32> to vector<512xf32>
    %broadcast_in_dim3A_279 = vector.shape_cast %reduce_sum3A_278 : vector<512xf32> to vector<512x1xf32>
    %add3A_280 = arith.addf %add3A_250, %mul3A_144 : vector<1x512xf32>
    %transpose3A_281 = tpu.transpose %add3A_280, [1, 0] : vector<1x512xf32> -> vector<512x1xf32>
    %add3A_282 = arith.addf %transpose3A_281, %broadcast_in_dim3A_279 : vector<512x1xf32>
    %get3A_283 = arith.constant 0 : index
    %get3A_284 = arith.constant 0 : index
    %get3A_285 = vector.load %arg10[%get3A_283, %get3A_284] : memref<1x1xf32, #tpu.memory_space<vmem>>, vector<1x1xf32>
    %get3A_286 = vector.extract %get3A_285[0, 0] : f32 from vector<1x1xf32>
    %get3A_287 = arith.constant 0 : index
    %get3A_288 = arith.constant 0 : index
    %get3A_289 = vector.load %arg9[%get3A_287, %get3A_288] : memref<1x1xf32, #tpu.memory_space<vmem>>, vector<1x1xf32>
    %get3A_290 = vector.extract %get3A_289[0, 0] : f32 from vector<1x1xf32>
    %add3A_291 = arith.addf %get3A_286, %get3A_290 : f32
    %add3A_292 = vector.broadcast %add3A_291 : f32 to vector<512x1xf32>
    %add3A_293 = arith.addf %add3A_282, %add3A_292 : vector<512x1xf32>
    %swap3A = arith.constant 0 : index
    %swap3A_294 = arith.constant 0 : index
    %swap3A_295 = vector.load %arg11[%swap3A, %swap3A_294] : memref<512x1xf32, #tpu.memory_space<vmem>>, vector<512x1xf32>
    tpu.vector_store %arg11[%swap3A, %swap3A_294], %add3A_293 {strides = array<i32>} : memref<512x1xf32, #tpu.memory_space<vmem>>, vector<512x1xf32>,
    return
  }
  func.func @transform_0(%arg0: i32) -> (i32, i32, i32) {
    %c0_i32 = arith.constant 0 : i32
    %c0_i32_0 = arith.constant 0 : i32
    %c0_i32_1 = arith.constant 0 : i32
    return %c0_i32, %c0_i32_0, %arg0 : i32, i32, i32
  }
  func.func @transform_1(%arg0: i32) -> (i32, i32) {
    %c0_i32 = arith.constant 0 : i32
    %c0_i32_0 = arith.constant 0 : i32
    return %c0_i32, %arg0 : i32, i32
  }
  func.func @transform_2(%arg0: i32) -> (i32, i32) {
    %c0_i32 = arith.constant 0 : i32
    %c0_i32_0 = arith.constant 0 : i32
    %c0_i32_1 = arith.constant 0 : i32
    return %c0_i32, %c0_i32_0 : i32, i32
  }
  func.func @transform_3(%arg0: i32) -> (i32, i32) {
    %c0_i32 = arith.constant 0 : i32
    %c0_i32_0 = arith.constant 0 : i32
    %c0_i32_1 = arith.constant 0 : i32
    return %c0_i32, %c0_i32_0 : i32, i32
  }
  func.func @transform_4(%arg0: i32) -> (i32, i32) {
    %c0_i32 = arith.constant 0 : i32
    %c0_i32_0 = arith.constant 0 : i32
    %c0_i32_1 = arith.constant 0 : i32
    return %c0_i32, %c0_i32_0 : i32, i32
  }
  func.func @transform_5(%arg0: i32) -> (i32, i32) {
    %c0_i32 = arith.constant 0 : i32
    %c0_i32_0 = arith.constant 0 : i32
    %c0_i32_1 = arith.constant 0 : i32
    return %c0_i32, %c0_i32_0 : i32, i32
  }
  func.func @transform_6(%arg0: i32) -> (i32, i32) {
    %c0_i32 = arith.constant 0 : i32
    %c0_i32_0 = arith.constant 0 : i32
    %c0_i32_1 = arith.constant 0 : i32
    return %c0_i32, %c0_i32_0 : i32, i32
  }
  func.func @transform_7(%arg0: i32) -> (i32, i32) {
    %c0_i32 = arith.constant 0 : i32
    %c0_i32_0 = arith.constant 0 : i32
    %c0_i32_1 = arith.constant 0 : i32
    return %c0_i32, %c0_i32_0 : i32, i32
  }
  func.func @transform_8(%arg0: i32) -> (i32, i32) {
    %c0_i32 = arith.constant 0 : i32
    %c0_i32_0 = arith.constant 0 : i32
    %c0_i32_1 = arith.constant 0 : i32
    return %c0_i32, %c0_i32_0 : i32, i32
  }
  func.func @transform_9(%arg0: i32) -> (i32, i32) {
    %c0_i32 = arith.constant 0 : i32
    %c0_i32_0 = arith.constant 0 : i32
    %c0_i32_1 = arith.constant 0 : i32
    return %c0_i32, %c0_i32_0 : i32, i32
  }
  func.func @transform_10(%arg0: i32) -> (i32, i32) {
    %c0_i32 = arith.constant 0 : i32
    %c0_i32_0 = arith.constant 0 : i32
    return %arg0, %c0_i32 : i32, i32
  }
}

</mosaic_0001>

<sc_bundles>
// kernel: kernel.4.cloned.1.call-start
scs
__scs_entry_jumppad:
0x0: {  	(pc) =	sbr.rel $0x88, $3  }
0x1: {  	(tag) =	ssettag $0x0;
	lr =	simm.s32 $0x1  }
0x2: {  	[smem:$0x3F97] =	sst lr;
	_ =	strace $0xD0000000  }
0x3: {  	_ = 	snop  }
0x4: {  	_ = 	snop  }
0x5: {  	_ = 	snop  }
0x6: {  	_ = 	snop  }
0x7: {  	_ = 	snop  }
__scs_overlays_trampoline_lowered:
0x8: {  	[smem:$0x3FA6] =	sst s0  }
0x9: {  	[smem:$0x3FA7] =	sst s1  }
0xa: {  	[smem:$0x3FA8] =	sst s2  }
0xb: {  	[smem:$0x3FA9] =	sst s3  }
0xc: {  	[smem:$0x3FAA] =	sst s4  }
0xd: {  	[smem:$0x3FAB] =	sst s5  }
0xe: {  	[smem:$0x3FAC] =	sst s6  }
0xf: {  	[smem:$0x3FAD] =	sst s7  }
0x10: {  	[smem:$0x3FAE] =	sst s8  }
0x11: {  	[smem:$0x3FAF] =	sst s9;
	s0 =	simm.s32 @!p0 $0x0  }
0x12: {  	s1 =	sld [smem:$0x3F95];
	s0 =	simm.s32 @p0 $0x1  }
0x13: {  	[smem:$0x3FB0] =	sst s0;
	s0 =	simm.s32 @!p1 $0x0  }
0x14: {  	s2 =	sld [smem:$0x3F94];
	s0 =	simm.s32 @p1 $0x1  }
0x15: {  	[smem:$0x3FB1] =	sst s0;
	s0 =	simm.s32 @!p2 $0x0  }
0x16: {  	s3 =	sld [smem:$0x3FDB];
	s0 =	simm.s32 @p2 $0x1  }
0x17: {  	s4 =	simm.s32 $0x1BF5;
	[smem:$0x3FB3] =	sst s0  }
0x18: {  	s0 =	sld [smem:$0x3F96];
	_ =	swait.ge [sflag:s4], $0x0  }
0x19: {  	s7 =	sld [smem:$0x3F97]  }
0x1a: {  	s8 =	sadd.s32 $0xFFFFE003, lr  }
0x1b: {  	s9 =	sadd.s32 $0xFFFFFEF7, lr;
	s5 =	simm.s32 $0xFFFFFFFF;
	p2 =	slt.u32 s8, $0xFFFFF086  }
0x1c: {  	p1 =	slt.u32 s9, $0xF7A;
	s5 =	simm.s32 @!p2 $0x0  }
0x1d: {  	s5 =	simm.s32 @p1 $0x1;
	p0 =	seq.s32 s7, s2  }
0x1e: {  	s7 =	smul.u32 @!p0 $0xF7A, s2;
	p2 =	seq.s32 @!p0 s5, $0x0  }
0x1f: {  	s9 =	smul.u32 $0xF7A, s1;
	s8 =	simm.s32 @!p0 $0x1BF5;
	p2 =	por !p2, p0  }
0x20: {  	[sflag:s8] =	ssyncset.s32 @!p0 $0xFFFFF086;
	s6 =	sadd.s32 @!p0 s3, s7;
	s7 =	simm.s32 @!p0 $0x108  }
0x21: {  	s3 =	sadd.s32 s3, s9;
	s6 =	sadd.s32 @!p0 $0x88, s6;
	s7 =	simm.s32 @p2 $0x1082  }
0x22: {  	[simem:s7], [sflag:s8] =	dma.local @!p0 [hbm:s6], $0xF7A  }
0x23: {  	s9 =	sor.u32 $0xD0000000, s2;
	s6 =	simm.s32 $0x108;
	_ =	swait.ge @!p0 [sflag:s8], $0x0  }
0x24: {  	s3 =	sadd.s32 $0x88, s3;
	s6 =	simm.s32 @!p1 $0x1082;
	[sflag:s4] =	ssyncset.s32 $0xFFFFF086  }
0x25: {  	[simem:s6], [sflag:s4] =	dma.local [hbm:s3], $0xF7A  }
0x26: {  	[smem:$0x3F97] =	sst s1;
	(tag) =	ssettag s2;
	_ =	strace s9  }
0x27: {  	s1 =	sld [smem:$0x3FA7]  }
0x28: {  	s2 =	sld [smem:$0x3FA8]  }
0x29: {  	s4 =	sld [smem:$0x3FAA]  }
0x2a: {  	p0 =	seq.s32 s5, $0x0;
	s5 =	sld [smem:$0x3FAB]  }
0x2b: {  	s6 =	sld [smem:$0x3FAC]  }
0x2c: {  	s7 =	sld [smem:$0x3FAD]  }
0x2d: {  	s3 =	simm.s32 $0x108;
	s8 =	sld [smem:$0x3FAE]  }
0x2e: {  	s3 =	simm.s32 @!p0 $0x1082;
	s9 =	sld [smem:$0x3FAF]  }
0x2f: {  	lr =	sadd.s32 s0, s3;
	s0 =	sld [smem:$0x3FA6]  }
0x30: {  	s3 =	sld [smem:$0x3FA9]  }
0x31: {  	[smem:$0x3FB2] =	sst s10  }
0x32: {  	s10 =	sld [smem:$0x3FB0];
	_ =	sdelay $0x3  }
0x33: {  	p0 =	seq.s32 s10, $0x1;
	s10 =	sld [smem:$0x3FB2];
	_ =	sdelay $0x3  }
0x34: {  	[smem:$0x3FB2] =	sst s10  }
0x35: {  	s10 =	sld [smem:$0x3FB1];
	_ =	sdelay $0x3  }
0x36: {  	p1 =	seq.s32 s10, $0x1;
	s10 =	sld [smem:$0x3FB2];
	_ =	sdelay $0x3  }
0x37: {  	[smem:$0x3FB2] =	sst s10  }
0x38: {  	s10 =	sld [smem:$0x3FB3]  }
0x39: {  	_ = 	snop;
	(pc) =	sbr.ind lr, $3  }
0x3a: {  	_ = 	snop  }
0x3b: {  	_ = 	snop  }
0x3c: {  	p2 =	seq.s32 s10, $0x1;
	s10 =	sld [smem:$0x3FB2]  }
0x3d: {  	_ =	shalt  }
0x3e: {  	_ =	shalt  }
0x3f: {  	_ =	shalt  }
0x40: {  	_ =	shalt  }
0x41: {  	_ =	shalt  }
0x42: {  	_ =	shalt  }
0x43: {  	_ =	shalt  }
0x44: {  	_ =	shalt  }
0x45: {  	_ =	shalt  }
0x46: {  	_ =	shalt  }
0x47: {  	_ =	shalt  }
0x48: {  	_ =	shalt  }
0x49: {  	_ =	shalt  }
0x4a: {  	_ =	shalt  }
0x4b: {  	_ =	shalt  }
0x4c: {  	_ =	shalt  }
0x4d: {  	_ =	shalt  }
0x4e: {  	_ =	shalt  }
0x4f: {  	_ =	shalt  }
0x50: {  	_ =	shalt  }
0x51: {  	_ =	shalt  }
0x52: {  	_ =	shalt  }
0x53: {  	_ =	shalt  }
0x54: {  	_ =	shalt  }
0x55: {  	_ =	shalt  }
0x56: {  	_ =	shalt  }
0x57: {  	_ =	shalt  }
0x58: {  	_ =	shalt  }
0x59: {  	_ =	shalt  }
0x5a: {  	_ =	shalt  }
0x5b: {  	_ =	shalt  }
0x5c: {  	_ =	shalt  }
0x5d: {  	_ =	shalt  }
0x5e: {  	_ =	shalt  }
0x5f: {  	_ =	shalt  }
0x60: {  	_ =	shalt  }
0x61: {  	_ =	shalt  }
0x62: {  	_ =	shalt  }
0x63: {  	_ =	shalt  }
0x64: {  	_ =	shalt  }
0x65: {  	_ =	shalt  }
0x66: {  	_ =	shalt  }
0x67: {  	_ =	shalt  }
0x68: {  	_ =	shalt  }
0x69: {  	_ =	shalt  }
0x6a: {  	_ =	shalt  }
0x6b: {  	_ =	shalt  }
0x6c: {  	_ =	shalt  }
0x6d: {  	_ =	shalt  }
0x6e: {  	_ =	shalt  }
0x6f: {  	_ =	shalt  }
0x70: {  	_ =	shalt  }
0x71: {  	_ =	shalt  }
0x72: {  	_ =	shalt  }
0x73: {  	_ =	shalt  }
0x74: {  	_ =	shalt  }
0x75: {  	_ =	shalt  }
0x76: {  	_ =	shalt  }
0x77: {  	_ =	shalt  }
0x78: {  	_ =	shalt  }
0x79: {  	_ =	shalt  }
0x7a: {  	_ =	shalt  }
0x7b: {  	_ =	shalt  }
0x7c: {  	_ =	shalt  }
0x7d: {  	_ =	shalt  }
0x7e: {  	_ =	shalt  }
0x7f: {  	_ =	shalt  }
0x80: {  	_ =	shalt  }
0x81: {  	_ =	shalt  }
0x82: {  	_ =	shalt  }
0x83: {  	_ =	shalt  }
0x84: {  	_ =	shalt  }
0x85: {  	_ =	shalt  }
0x86: {  	_ =	shalt  }
0x87: {  	_ =	shalt  }
.Lfunc_end0:
.L_simem_size_0:
called_computation_lowered:
.L_overlay_start_0:
0x88: {  	s2 =	sld [smem:$0x3FD9]  }
0x89: {  	s3 =	sld [smem:$0x3FFE];
	_ =	sdelay $0x1  }
0x8a: {  	s1 =	srdreg.scid  }
0x8b: {  	s0 =	sand.u32 $0x1, s1  }
0x8c: {  	s17 =	sshll.u32 s0, $0xA;
	s2 =	sadd.s32 s3, s2  }
0x8d: {  	s2 =	sadd.s32 s2, s17  }
0x8e: {  	[smem:$0x3FBE] =	sst s2  }
0x8f: {  	_ = 	snop  }
0x90: {  	s2 =	sld [smem:$0x3FC4];
	(tm) =	ssettm $0x1  }
0x91: {  	s18 =	sld [smem:$0x3FFB];
	_ =	sdelay $0x3  }
0x92: {  	_ =	strace s18  }
0x93: {  	s3 =	sld [smem:$0x3FFC];
	_ =	sdelay $0x3  }
0x94: {  	_ =	strace s3  }
0x95: {  	s3 =	sld [smem:$0x3FFD];
	_ =	sdelay $0x3  }
0x96: {  	_ =	strace s3  }
0x97: {  	_ =	strace $0x8FFFFFFF  }
0x98: {  	s19 =	sld [smem:$0x3FDB];
	_ =	sdelay $0x1  }
0x99: {  	s4 =	simm.s32 $_scs_section_size  }
0x9a: {  	s5 =	simm.s32 $_size__tile_overlayer_lowered;
	s6 =	simm.s32 $_tile_overlayer_lowered  }
0x9b: {  	s22 =	simm.s32 $0x1BFF;
	s21 =	sshll.u32 s6, $0x1;
	s3 =	sadd.s32 s4, s19  }
0x9c: {  	s7 =	simm.s32 $0x0;
	s20 =	sshll.u32 s5, $0x1;
	s5 =	sadd.s32 s21, s3  }
0x9d: {  	[timem:s7], [sflag:s22] =	dma.local [hbm:s5], s20  }
0x9e: {  	_ =	swait.ge [sflag:s22], s20  }
0x9f: {  	s4 =	ssub.s32 $0x0, s20;
	[sflag:s22] =	ssyncset.done $0x0  }
0xa0: {  	[sflag:s22] =	ssyncadd.s32 s4;
	_ =	sdelay $0x1  }
0xa1: {  	s23 =	simm.s32 $0x1B8B  }
0xa2: {  	_ =	swait.ge [sflag:s23], $0x1  }
0xa3: {  	[sflag:s23] =	ssyncset.done $0x0  }
0xa4: {  	s25 =	simm.s32 $0x1B8E;
	s24 =	sld [smem:$0x3FFE];
	[sflag:s23] =	ssyncadd.s32 $0xFFFFFFFF  }
0xa5: {  	s26 =	simm.s32 $execute0_lowered;
	[smem:$0x3FD2] =	sst s25  }
0xa6: {  	s5 =	sshll.u32 s26, $0x1;
	_ =	strace $0x80000046;
	[dreg:$0x1] =	wrdreg $0xFFFFFFFF  }
0xa7: {  	s28 =	simm.s32 $_size_execute0_lowered;
	s3 =	sadd.s32 s3, s5;
	[dreg:$0x0] =	wrdreg $0x0  }
0xa8: {  	s5 =	sshll.u32 s28, $0x1;
	[dreg:$0x2] =	wrdreg s3  }
0xa9: {  	[dreg:$0x3] =	wrdreg s5  }
0xaa: {  	[dreg:$0x4] =	wrdreg $0xC0  }
0xab: {  	_ =	task [dreg:s7], $0x5FFFF  }
0xac: {  	[dreg:$0x1] =	wrdreg $0xFFFFFFFF  }
0xad: {  	[dreg:$0x0] =	wrdreg $0x60  }
0xae: {  	[dreg:$0x2] =	wrdreg s2  }
0xaf: {  	[dreg:$0x3] =	wrdreg s24  }
0xb0: {  	[dreg:$0x4] =	wrdreg $0x9  }
0xb1: {  	_ =	task.clear_ibuf [dreg:s7], $0x5FFFF;
	_ =	strace $0x90000046  }
0xb2: {  	s29 =	simm.s32 $0x9;
	_ =	strace $0x80000048  }
0xb3: {  	_ =	swait.ge [sflag:s29], $0x1  }
0xb4: {  	[sflag:s29] =	ssyncadd.s32 $0xFFFFFFFF  }
0xb5: {  	_ =	strace $0x90000048  }
0xb6: {  	_ =	sfence  }
0xb7: {  	s30 =	sld [smem:$0x0];
	_ =	sdelay $0x2  }
0xb8: {  	s31 =	sshll.u32 s1, $0xD;
	s1 =	sshrl.u32 s1, $0x2  }
0xb9: {  	s3 =	sand.u32 $0x4000, s31;
	s1 =	sadd.s32 s1, s30  }
0xba: {  	s0 =	sor.u32 s3, s0;
	s1 =	sshll.u32 s1, $0x11  }
0xbb: {  	s0 =	sor.u32 s1, s0  }
0xbc: {  	s0 =	sadd.s32 $0x8F2B, s0  }
0xbd: {  	[sflag:s0] =	ssyncadd.remote.s32 $0x1  }
0xbe: {  	_ =	sfence.sel $0xFFFF  }
0xbf: {  	[dreg:$0x0] =	wrdreg $0xFFFFFFFF;
	(pc) =	sbr.abs _section_cstart, $3  }
0xc0: {  	[dreg:$0x1] =	wrdreg $0xFFFFFFFF  }
0xc1: {  	_ =	task.clear_ibuf [dreg:s7], $0x2FFFF;
	_ =	strace $0x9FFFFFFF  }
0xc2: {  	(tm) =	ssettm $0x7FFFFFFF  }
0xc3: {  	_ =	shalt  }
tec
execute0_lowered:
.L_overlay_start_1:
0x0: {  	(tag) =	ssettag $0x1  }
0x1: {  	s1 =	rddreg [dreg:$0x0]  }
0x2: {  	s5 =	rddreg [dreg:$0x1]  }
0x3: {  	s0 =	rddreg [dreg:$0x2]  }
0x4: {  	s3 =	simm.s32 $0x0;
	s4 =	srdreg.scid;
	s2 =	stileid.u32  }
0x5: {  	s13 =	simm.s32 $0x18700;
	s14 =	simm.s32 $0x3;
	s15 =	simm.s32 $0x1  }
0x6: {  	s16 =	simm.s32 $0x19700;
	s17 =	simm.s32 $0x2;
	s18 =	simm.s32 $0x0  }
0x7: {  	[smem:$0x7FF] =	sst s3;
	s7 =	sand.u32 $0x1, s4;
	s4 =	sadd.s32 $0x1600, s5  }
0x8: {  	s9 =	sshrl.u32 s2, $0x3;
	s10 =	sshll.u32 s2, $0x7;
	s6 =	ssub.s32 $0x2, s7  }
0x9: {  	s5 =	sadd.s32 $0x4A00, s5;
	s11 =	smul.u32 $0xC3800, s9;
	s8 =	sshrl.u32 s6, $0x1  }
0xa: {  	_ =	strace $0x80000047;
	s12 =	ssub.s32 s6, s8;
	s6 =	sand.u32 $0x380, s10  }
0xb: {  	s7 =	smul.u32 $0xD, s7;
	s9 =	sshll.u32 s9, $0xF;
	s8 =	sor.u32 s6, s11  }
0xc: {  	s10 =	smax.u32 s12, $0x1;
	s11 =	simm.s32 $0x80;
	s12 =	simm.s32 $0x400  }
.LBB2_1:
0xd: {  	s19 =	simm.s32 $0x0  }
.LBB2_2:
0xe: {  	s20 =	sadd.s32 s7, s19  }
0xf: {  	s21 =	smul.u32 $0x187000, s20;
	_ =	sdelay $0x1  }
0x10: {  	s21 =	sadd.s32 s8, s21  }
0x11: {  	s21 =	sshrl.u32 s21, $0x3  }
0x12: {  	s31 =	sshll.u32 s20, $0x9;
	s21 =	sadd.s32 s1, s21  }
0x13: {  	[tilespmem:s3], [sflag:$0x1] =	stream.strided.gather [hbm4b:s21+s11], $0x18700, s12, s11, $0x38;
	[tilespmem:$0x1A700] =	vst v63  }
0x14: {  	s21 =	sadd.s32 s4, s31  }
0x15: {  	[tilespmem:s13], [sflag:$0x3] =	stream.linear.gather [hbm4b:s21+s3], $0x1000, $0x38;
	[tilespmem:$0x1A700] =	vst v63  }
0x16: {  	_ =	swait.ge [sflag:s14], $0x1000  }
0x17: {  	p0 =	seq.s32 s19, $0x0;
	[sflag:s14] =	ssyncset.done $0x0  }
0x18: {  	s21 =	simm.s32 @!p0 $0x2;
	[sflag:s14] =	ssyncadd.s32 $0xFFFFF000  }
0x19: {  	_ =	swait.ge @!p0 [sflag:s21], $0x1000  }
0x1a: {  	[sflag:s21] =	ssyncset.done @!p0 $0x0  }
0x1b: {  	[sflag:s21] =	ssyncadd.s32 @!p0 $0xFFFFF000  }
0x1c: {  	_ =	swait.ge [sflag:s15], $0x18700  }
0x1d: {  	[sflag:s15] =	ssyncset.done $0x0  }
0x1e: {  	s22 =	simm.s32 $0x0;
	[sflag:s15] =	ssyncadd.s32 $0xFFFE7900  }
0x1f: {  	v0 =	vld [tilespmem:s22+$0x18700];
	_ =	sdelay $0x7  }
0x20: {  	s23 =	simm.s32 $0x80;
	s21 =	simm.s32 $0x10;
	v0 =	vld.idx.msk [tilespmem:v0+s3+$0x0], $0xffff  }
.LBB2_3:
0x21: {  	p0 =	sne.s32 s23, $0x3FC0;
	v1 =	vld [tilespmem:s21+$0x18700];
	_ =	sdelay $0x3  }
.Ltmp0:
0x22: {  	(pc) =	sbr.rel @p0 .LBB2_3-.Ltmp0, $2  }
0x23: {  	[tilespmem:s22+$0x19700] =	vst v0;
	s22 =	smov.u32 s21;
	_ =	sdelay $0x2  }
0x24: {  	s21 =	sshra.s32 s23, $0x2;
	s23 =	sadd.s32 $0x40, s23;
	v0 =	vld.idx.msk [tilespmem:v1+s3+$0x0], $0xffff  }
0x25: {  	v1 =	vld [tilespmem:s21+$0x18700];
	_ =	sdelay $0x6  }
0x26: {  	[tilespmem:s22+$0x19700] =	vst v0  }
0x27: {  	s19 =	sadd.s32 $0x1, s19;
	v0 =	vld.idx.msk [tilespmem:v1+s3+$0x0], $0xffff  }
0x28: {  	s20 =	sshll.u32 s20, $0x10;
	p0 =	sne.s32 s19, $0xD  }
.Ltmp1:
0x29: {  	s20 =	sor.u32 s20, s9;
	(pc) =	sbr.rel @p0 .LBB2_2-.Ltmp1, $4  }
0x2a: {  	s20 =	sor.u32 s6, s20  }
0x2b: {  	s20 =	sshrl.u32 s20, $0x3  }
0x2c: {  	s20 =	sadd.s32 s5, s20;
	[tilespmem:s21+$0x19700] =	vst v0  }
0x2d: {  	[hbm4b:s20+s11] =	stream.strided.scatter [tilespmem:s16], [sflag:$0x2], $0x1000, s12, s11, $0x38;
	[tilespmem:$0x1A700] =	vst v63  }
0x2e: {  	s18 =	sadd.s32 $0x1, s18  }
0x2f: {  	p0 =	sne.s32 s18, s10  }
.Ltmp2:
0x30: {  	_ = 	snop;
	(pc) =	sbr.rel @p0 .LBB2_1-.Ltmp2, $4  }
0x31: {  	_ = 	snop  }
0x32: {  	_ =	swait.ge [sflag:s17], $0x1000  }
0x33: {  	[sflag:s17] =	ssyncset.done $0x0  }
0x34: {  	[sflag:s17] =	ssyncadd.s32 $0xFFFFF000  }
0x35: {  	_ =	sfence.sel $0x180000  }
0x36: {  	[bflag:$0x0] =	sbarrier.arrive $0xFFFF  }
0x37: {  	p0 =	sne.s32 s2, $0x0;
	_ =	strace $0x90000047  }
0x38: {  	s0 =	sadd.s32 @!p0 $0x100000, s0;
	[bflag:$0x2] =	sbarrier.arrive $0xFFFF  }
0x39: {  	[sflag:s0] =	ssyncadd.tile.s32 @!p0 $0x1;
	_ =	shalt  }
.Lfunc_end2:
_tile_overlayer_lowered:
.L_overlay_start_2:
0x3a: {  	(tag) =	ssettag $0x2  }
0x3b: {  	s0 =	rddreg [dreg:$0x0];
	s2 =	stileid.u32  }
0x3c: {  	s1 =	rddreg [dreg:$0x1];
	p0 =	sne.s32 s2, $0x0  }
0x3d: {  	s3 =	rddreg [dreg:$0x2];
	[bflag:$0x3] =	sbarrier.arrive $0xFFFF;
	s2 =	simm.s32 @!p0 $0x1C03  }
0x3e: {  	[timem:s3], [sflag:s2] =	dma.local @!p0 [hbm:s0], s1  }
0x3f: {  	s0 =	simm.s32 @!p0 $0x3  }
0x40: {  	_ =	swait.ge @!p0 [sflag:s0], s1  }
0x41: {  	s1 =	ssub.s32 @!p0 $0x0, s1;
	[sflag:s0] =	ssyncset.done @!p0 $0x0  }
0x42: {  	[sflag:s0] =	ssyncadd.s32 @!p0 s1  }
0x43: {  	[bflag:$0x3] =	sbarrier.arrive $0xFFFF  }
0x44: {  	_ =	shalt  }

</sc_bundles>
